<compile_context>
chip_gen: v7x
topology: tpu7x:2x2x1
jax: 0.10.2.dev20260603
libtpu: 0.0.44.dev20260713+nightly
codegen_flags: <defaults>
</compile_context>

<pallas_src>
import functools

import jax
import jax.numpy as jnp
from jax import lax
from jax.experimental import pallas as pl
from jax.experimental.pallas import tpu as pltpu
from jax.experimental.pallas import tpu_sc as plsc

B, C, U, D, S = 1024, 256, 128, 16, 16
NC, NS = 1, 16
NW = NC * NS
UPW = U // NW
L = 16


def _sc_scatter_body(duds_hbm, dw_hbm, wt_hbm, idx_v, dw_v, w_v, sem1, sem2):
    wid = lax.axis_index("s")
    base = wid * UPW
    cp1 = pltpu.async_copy(duds_hbm.at[pl.ds(base, UPW)], idx_v, sem1)
    cp2 = pltpu.async_copy(dw_hbm, dw_v, sem2)
    cp1.wait()
    cp2.wait()
    lane = lax.iota(jnp.int32, L)

    def unit_body(j, _):
        rows = lane * 0 + j
        w16 = plsc.load_gather(dw_v, [lane, lane * 0 + (base + j)])

        def d_body(d, _):
            idx = idx_v[j, pl.ds(d * S, L)]
            plsc.store_scatter(w_v, [rows, idx], w16)
            return 0

        return lax.fori_loop(0, D, d_body, 0)

    lax.fori_loop(0, UPW, unit_body, 0)
    pltpu.sync_copy(w_v, wt_hbm.at[pl.ds(base, UPW)])


@functools.partial(
    pl.kernel,
    mesh=plsc.VectorSubcoreMesh(
        core_axis_name="c", subcore_axis_name="s", num_cores=NC),
    out_type=jax.ShapeDtypeStruct((U, C), jnp.float32),
    scratch_types=[
        pltpu.VMEM((UPW, D * S), jnp.int32),
        pltpu.VMEM((S, U), jnp.float32),
        pltpu.VMEM((UPW, C), jnp.float32),
        pltpu.SemaphoreType.DMA,
        pltpu.SemaphoreType.DMA,
    ],
    compiler_params=pltpu.CompilerParams(needs_layout_passes=False),
)
def _sc_scatter(duds_hbm, dw_hbm, wt_hbm, idx_v, dw_v, w_v, sem1, sem2):
    _sc_scatter_body(duds_hbm, dw_hbm, wt_hbm, idx_v, dw_v, w_v, sem1, sem2)


def _tc_matmul_body(x_ref, wt_ref, kw_ref, b_ref, o_ref):
    acc = lax.dot_general(
        x_ref[:], wt_ref[:], (((1,), (1,)), ((), ())),
        preferred_element_type=jnp.float32)
    o_ref[:] = acc * kw_ref[:] + b_ref[:]


def _tc_matmul(x, wt, kw, b2):
    return pl.pallas_call(
        _tc_matmul_body,
        out_shape=jax.ShapeDtypeStruct((B, U), jnp.float32),
    )(x, wt, kw, b2)


def kernel(x, dendrites, kernel, dendriticW, bias):
    duds = jnp.transpose(dendrites, (2, 0, 1)).reshape(U, D * S)
    wt = _sc_scatter(duds, dendriticW)
    return _tc_matmul(x, wt, kernel, bias.reshape(1, U))

# --- scband reference (transcript-rebuilt; emitter-appended) ---
"""Pipeline reference for scband-dendriter-84499186581833 (READ-ONLY COPY).

The authoritative reference and input builder live on the scoring server;
editing this copy changes nothing except your own understanding.
"""

import jax, jax.numpy as jnp
import numpy as np

B, C, U, D, S = 1024, 256, 128, 16, 16


def setup_inputs(seed: int = 0) -> dict:
    key = jax.random.key(seed)
    k1, k2, k3 = jax.random.split(key, 3)
    x = jax.random.normal(k1, (B, C), dtype=jnp.float32)
    # dendrites: for each unit, a random permutation of the C input connections,
    # split into S segments of D connections each (segmenter()).
    rng = np.random.RandomState(0)
    perms = np.stack([rng.permutation(C).reshape(S, D) for _ in range(U)], axis=0)  # [U, S, D]
    # torch code transposes dims 0 and 2 -> [dendrite_size, seql, units]
    dendrites = jnp.asarray(np.transpose(perms, (2, 1, 0)).astype(np.int32))  # [D, S, U]
    # kernel (first weighting, uniqueW=False): shape [1, units], kaiming-normal
    kernel = jax.random.normal(k2, (1, U), dtype=jnp.float32) * np.sqrt(2.0 / C)
    # dendriticW (second weighting, version=1): shape [seql, units]
    dendriticW = jax.random.normal(k3, (S, U), dtype=jnp.float32) * np.sqrt(2.0 / S)
    bias = jnp.ones((U,), dtype=jnp.float32)
    return {"x": x, "dendrites": dendrites, "kernel": kernel, "dendriticW": dendriticW, "bias": bias}


def reference(x, dendrites, kernel, dendriticW, bias):
    # weight_twice: first weighting broadcasts the per-unit kernel over inputs
    xw = x[:, :, None] * kernel  # [B, C, U]
    # per-unit gather of dendritic connection groups
    xw_t = jnp.transpose(xw, (2, 0, 1))   # [U, B, C]
    idx = jnp.transpose(dendrites, (2, 1, 0))  # [U, S, D]
    g = jax.vmap(lambda xu, iu: jnp.take(xu, iu, axis=1))(xw_t, idx)  # [U, B, S, D]
    # oper=torch.cumsum with function=0 (addition): cumulative sum over the
    # dendrite_size dim, keeping the final element == segment sum
    dend = jnp.cumsum(g, axis=-1)[..., -1]  # [U, B, S]
    # second weighting by dendriticW [S, U], reduce over segments, add bias
    w = jnp.transpose(dendriticW)[:, None, :]  # [U, 1, S]
    out = jnp.sum(dend * w, axis=-1) + bias[:, None]  # [U, B]
    return jnp.transpose(out)  # [B, U]

if __name__ == "__main__":
    import jax
    _d = setup_inputs()
    print(jax.jit(kernel)(*tuple(_d.values())))

</pallas_src>

<mosaic_0001>
#map = affine_map<(d0, d1) -> (0, 0)>
module attributes {stable_mosaic.version = 14 : i64} {
  func.func @_sc_scatter(%arg0: i32, %arg1: i32, %arg2: memref<128x256xi32, #tpu.memory_space<hbm>>, %arg3: memref<16x128xf32, #tpu.memory_space<hbm>>, %arg4: memref<128x256xf32, #tpu.memory_space<hbm>>, %arg5: memref<8x256xi32, #tpu.memory_space<vmem>>, %arg6: memref<16x128xf32, #tpu.memory_space<vmem>>, %arg7: memref<8x256xf32, #tpu.memory_space<vmem>>, %arg8: memref<!tpu.dma_semaphore, #tpu.memory_space<semaphore_mem>>, %arg9: memref<!tpu.dma_semaphore, #tpu.memory_space<semaphore_mem>>) attributes {dimension_semantics = [#tpu.dimension_semantics<core_parallel>, #tpu.dimension_semantics<subcore_parallel>], iteration_bounds = array<i64: 1, 16>, scalar_prefetch = 0 : i64, scratch_operands = 5 : i64, tpu.core_type = #tpu.core_type<sc_vector_subcore>, window_params = [{transform_indices = #map}, {transform_indices = #map}, {transform_indices = #map}]} {
    %mul3A = arith.constant 8 : i32
    %mul3A_0 = arith.muli %arg1, %mul3A : i32
    %dma_start3A = arith.constant 0 : i32
    %dma_start3A_1 = tpu.memref_slice %arg2[%mul3A_0, %dma_start3A] : memref<128x256xi32, #tpu.memory_space<hbm>> -> memref<8x256xi32, #tpu.memory_space<hbm>>
    %dma_start3A_2 = arith.constant 0 : i32
    %dma_start3A_3 = tpu.memref_slice %arg2[%mul3A_0, %dma_start3A_2] : memref<128x256xi32, #tpu.memory_space<hbm>> -> memref<8x256xi32, #tpu.memory_space<hbm>>
    tpu.enqueue_dma source(%dma_start3A_3 : memref<8x256xi32, #tpu.memory_space<hbm>>) target(%arg5 : memref<8x256xi32, #tpu.memory_space<vmem>>) target_semaphore(%arg8 : memref<!tpu.dma_semaphore, #tpu.memory_space<semaphore_mem>>)
    tpu.enqueue_dma source(%arg3 : memref<16x128xf32, #tpu.memory_space<hbm>>) target(%arg6 : memref<16x128xf32, #tpu.memory_space<vmem>>) target_semaphore(%arg9 : memref<!tpu.dma_semaphore, #tpu.memory_space<semaphore_mem>>)
    %dma_wait3A = arith.constant 0 : i32
    %dma_wait3A_4 = tpu.memref_slice %arg2[%mul3A_0, %dma_wait3A] : memref<128x256xi32, #tpu.memory_space<hbm>> -> memref<8x256xi32, #tpu.memory_space<hbm>>
    %dma_wait3A_5 = arith.constant 0 : i32
    %dma_wait3A_6 = tpu.memref_slice %arg2[%mul3A_0, %dma_wait3A_5] : memref<128x256xi32, #tpu.memory_space<hbm>> -> memref<8x256xi32, #tpu.memory_space<hbm>>
    tpu.wait_dma2 semaphore(%arg8 : memref<!tpu.dma_semaphore, #tpu.memory_space<semaphore_mem>>) src(%dma_wait3A_6 : memref<8x256xi32, #tpu.memory_space<hbm>>) dst(%arg5 : memref<8x256xi32, #tpu.memory_space<vmem>>)
    tpu.wait_dma2 semaphore(%arg9 : memref<!tpu.dma_semaphore, #tpu.memory_space<semaphore_mem>>) src(%arg3 : memref<16x128xf32, #tpu.memory_space<hbm>>) dst(%arg6 : memref<16x128xf32, #tpu.memory_space<vmem>>)
    %iota3A = tpu.iota {dimensions = array<i32: 0>} : vector<16xi32>
    %scan3A = arith.constant 0 : i32
    %scan3A_7 = arith.constant 0 : i32
    %scan3A_8 = arith.constant 8 : i32
    %scan3A_9 = arith.addi %scan3A_7, %scan3A_8 : i32
    %scan3A_10 = arith.constant 1 : i32
    %scan3A_11 = scf.for %scan3A_13 = %scan3A_7 to %scan3A_9 step %scan3A_10 iter_args(%scan3A_14 = %scan3A) -> (i32)  : i32 {
      %mul3A_15 = arith.constant 0 : i32
      %mul3A_16 = vector.broadcast %mul3A_15 : i32 to vector<16xi32>
      %mul3A_17 = arith.muli %iota3A, %mul3A_16 : vector<16xi32>
      %add3A = vector.broadcast %scan3A_13 : i32 to vector<16xi32>
      %add3A_18 = arith.addi %mul3A_17, %add3A : vector<16xi32>
      %mul3A_19 = arith.constant 0 : i32
      %mul3A_20 = vector.broadcast %mul3A_19 : i32 to vector<16xi32>
      %mul3A_21 = arith.muli %iota3A, %mul3A_20 : vector<16xi32>
      %add3A_22 = arith.addi %mul3A_0, %scan3A_13 : i32
      %add3A_23 = vector.broadcast %add3A_22 : i32 to vector<16xi32>
      %add3A_24 = arith.addi %mul3A_21, %add3A_23 : vector<16xi32>
      %gather3A = tpu.vector_load_idx %arg6[%iota3A, %add3A_24] : memref<16x128xf32, #tpu.memory_space<vmem>>[vector<16xi32>, vector<16xi32>], vector<16xf32>,
      %scan3A_25 = arith.constant 0 : i32
      %scan3A_26 = arith.constant 0 : i32
      %scan3A_27 = arith.constant 16 : i32
      %scan3A_28 = arith.addi %scan3A_26, %scan3A_27 : i32
      %scan3A_29 = arith.constant 1 : i32
      %scan3A_30 = scf.for %scan3A_32 = %scan3A_26 to %scan3A_28 step %scan3A_29 iter_args(%scan3A_33 = %scan3A_25) -> (i32)  : i32 {
        %mul3A_34 = arith.constant 16 : i32
        %mul3A_35 = arith.muli %scan3A_32, %mul3A_34 : i32
        %get3A = arith.index_cast %scan3A_13 : i32 to index
        %get3A_36 = arith.index_cast %mul3A_35 : i32 to index
        %get3A_37 = tpu.vector_load %arg5[%get3A, %get3A_36] {strides = array<i32>} : memref<8x256xi32, #tpu.memory_space<vmem>>, vector<16xi32>,
        tpu.vector_store_idx %arg7[%add3A_18, %get3A_37], %gather3A : memref<8x256xf32, #tpu.memory_space<vmem>>[vector<16xi32>, vector<16xi32>], vector<16xf32>,
        %scan3A_38 = arith.constant 0 : i32
        scf.yield %scan3A_38 : i32
      }
      %scan3A_31 = arith.constant 16 : i32
      scf.yield %scan3A_30 : i32
    }
    %scan3A_12 = arith.constant 8 : i32
    "tpu.region"() ({
      %run_scoped3A = tpu.sem_alloc : memref<!tpu.dma_semaphore, #tpu.memory_space<semaphore_mem>>
      %dma_start3A_13 = arith.constant 0 : i32
      %dma_start3A_14 = tpu.memref_slice %arg4[%mul3A_0, %dma_start3A_13] : memref<128x256xf32, #tpu.memory_space<hbm>> -> memref<8x256xf32, #tpu.memory_space<hbm>>
      %dma_start3A_15 = arith.constant 0 : i32
      %dma_start3A_16 = tpu.memref_slice %arg4[%mul3A_0, %dma_start3A_15] : memref<128x256xf32, #tpu.memory_space<hbm>> -> memref<8x256xf32, #tpu.memory_space<hbm>>
      tpu.enqueue_dma source(%arg7 : memref<8x256xf32, #tpu.memory_space<vmem>>) target(%dma_start3A_16 : memref<8x256xf32, #tpu.memory_space<hbm>>) target_semaphore(%run_scoped3A : memref<!tpu.dma_semaphore, #tpu.memory_space<semaphore_mem>>)
      %dma_wait3A_17 = arith.constant 0 : i32
      %dma_wait3A_18 = tpu.memref_slice %arg4[%mul3A_0, %dma_wait3A_17] : memref<128x256xf32, #tpu.memory_space<hbm>> -> memref<8x256xf32, #tpu.memory_space<hbm>>
      %dma_wait3A_19 = arith.constant 0 : i32
      %dma_wait3A_20 = tpu.memref_slice %arg4[%mul3A_0, %dma_wait3A_19] : memref<128x256xf32, #tpu.memory_space<hbm>> -> memref<8x256xf32, #tpu.memory_space<hbm>>
      tpu.wait_dma2 semaphore(%run_scoped3A : memref<!tpu.dma_semaphore, #tpu.memory_space<semaphore_mem>>) src(%arg7 : memref<8x256xf32, #tpu.memory_space<vmem>>) dst(%dma_wait3A_20 : memref<8x256xf32, #tpu.memory_space<hbm>>)
      tpu.yield
    }) : () -> ()
    return
  }
}

module attributes {stable_mosaic.version = 14 : i64} {
  func.func @_tc_matmul_body(%arg0: memref<1024x256xf32, #tpu.memory_space<vmem>>, %arg1: memref<128x256xf32, #tpu.memory_space<vmem>>, %arg2: memref<1x128xf32, #tpu.memory_space<vmem>>, %arg3: memref<1x128xf32, #tpu.memory_space<vmem>>, %arg4: memref<1024x128xf32, #tpu.memory_space<vmem>>) attributes {dimension_semantics = [], scalar_prefetch = 0 : i64, scratch_operands = 0 : i64, tpu.core_type = #tpu.core_type<tc>} {
    %get3A = arith.constant 0 : index
    %get3A_0 = arith.constant 0 : index
    %get3A_1 = vector.load %arg0[%get3A, %get3A_0] : memref<1024x256xf32, #tpu.memory_space<vmem>>, vector<1024x256xf32>
    %get3A_2 = arith.constant 0 : index
    %get3A_3 = arith.constant 0 : index
    %get3A_4 = vector.load %arg1[%get3A_2, %get3A_3] : memref<128x256xf32, #tpu.memory_space<vmem>>, vector<128x256xf32>
    %dot_general3A = arith.constant dense<0.000000e+00> : vector<1024x128xf32>
    %dot_general3A_5 = tpu.matmul %get3A_1, %get3A_4, %dot_general3A {dimension_numbers = #tpu.dot_dimension_numbers<[1], [1], [0], [0], [0, 0, 1, 0], [], []>, transpose_lhs_hint = false} : vector<1024x256xf32>, vector<128x256xf32>, vector<1024x128xf32> -> vector<1024x128xf32>
    %get3A_6 = arith.constant 0 : index
    %get3A_7 = arith.constant 0 : index
    %get3A_8 = vector.load %arg2[%get3A_6, %get3A_7] : memref<1x128xf32, #tpu.memory_space<vmem>>, vector<1x128xf32>
    %mul3A = vector.broadcast %get3A_8 : vector<1x128xf32> to vector<1024x128xf32>
    %mul3A_9 = arith.mulf %dot_general3A_5, %mul3A : vector<1024x128xf32>
    %get3A_10 = arith.constant 0 : index
    %get3A_11 = arith.constant 0 : index
    %get3A_12 = vector.load %arg3[%get3A_10, %get3A_11] : memref<1x128xf32, #tpu.memory_space<vmem>>, vector<1x128xf32>
    %add3A = vector.broadcast %get3A_12 : vector<1x128xf32> to vector<1024x128xf32>
    %add3A_13 = arith.addf %mul3A_9, %add3A : vector<1024x128xf32>
    %swap3A = arith.constant 0 : index
    %swap3A_14 = arith.constant 0 : index
    %swap3A_15 = vector.load %arg4[%swap3A, %swap3A_14] : memref<1024x128xf32, #tpu.memory_space<vmem>>, vector<1024x128xf32>
    tpu.vector_store %arg4[%swap3A, %swap3A_14], %add3A_13 {strides = array<i32>} : memref<1024x128xf32, #tpu.memory_space<vmem>>, vector<1024x128xf32>,
    return
  }
}

</mosaic_0001>

<sc_bundles>
// kernel: kernel.5.cloned.1.call-start
scs
__scs_entry_jumppad:
0x0: {  	(pc) =	sbr.rel $0x88, $3  }
0x1: {  	(tag) =	ssettag $0x0;
	lr =	simm.s32 $0x1  }
0x2: {  	[smem:$0x3F9C] =	sst lr;
	_ =	strace $0xD0000000  }
0x3: {  	_ = 	snop  }
0x4: {  	_ = 	snop  }
0x5: {  	_ = 	snop  }
0x6: {  	_ = 	snop  }
0x7: {  	_ = 	snop  }
__scs_overlays_trampoline_lowered:
0x8: {  	[smem:$0x3FAB] =	sst s0  }
0x9: {  	[smem:$0x3FAC] =	sst s1  }
0xa: {  	[smem:$0x3FAD] =	sst s2  }
0xb: {  	[smem:$0x3FAE] =	sst s3  }
0xc: {  	[smem:$0x3FAF] =	sst s4  }
0xd: {  	[smem:$0x3FB0] =	sst s5  }
0xe: {  	[smem:$0x3FB1] =	sst s6  }
0xf: {  	[smem:$0x3FB2] =	sst s7  }
0x10: {  	[smem:$0x3FB3] =	sst s8  }
0x11: {  	[smem:$0x3FB4] =	sst s9;
	s0 =	simm.s32 @!p0 $0x0  }
0x12: {  	s1 =	sld [smem:$0x3F9A];
	s0 =	simm.s32 @p0 $0x1  }
0x13: {  	[smem:$0x3FB5] =	sst s0;
	s0 =	simm.s32 @!p1 $0x0  }
0x14: {  	s2 =	sld [smem:$0x3F99];
	s0 =	simm.s32 @p1 $0x1  }
0x15: {  	[smem:$0x3FB6] =	sst s0;
	s0 =	simm.s32 @!p2 $0x0  }
0x16: {  	s3 =	sld [smem:$0x3FDB];
	s0 =	simm.s32 @p2 $0x1  }
0x17: {  	s4 =	simm.s32 $0x1BF5;
	[smem:$0x3FB8] =	sst s0  }
0x18: {  	s0 =	sld [smem:$0x3F9B];
	_ =	swait.ge [sflag:s4], $0x0  }
0x19: {  	s7 =	sld [smem:$0x3F9C]  }
0x1a: {  	s8 =	sadd.s32 $0xFFFFE003, lr  }
0x1b: {  	s9 =	sadd.s32 $0xFFFFFEF7, lr;
	s5 =	simm.s32 $0xFFFFFFFF;
	p2 =	slt.u32 s8, $0xFFFFF086  }
0x1c: {  	p1 =	slt.u32 s9, $0xF7A;
	s5 =	simm.s32 @!p2 $0x0  }
0x1d: {  	s5 =	simm.s32 @p1 $0x1;
	p0 =	seq.s32 s7, s2  }
0x1e: {  	s7 =	smul.u32 @!p0 $0xF7A, s2;
	p2 =	seq.s32 @!p0 s5, $0x0  }
0x1f: {  	s9 =	smul.u32 $0xF7A, s1;
	s8 =	simm.s32 @!p0 $0x1BF5;
	p2 =	por !p2, p0  }
0x20: {  	[sflag:s8] =	ssyncset.s32 @!p0 $0xFFFFF086;
	s6 =	sadd.s32 @!p0 s3, s7;
	s7 =	simm.s32 @!p0 $0x108  }
0x21: {  	s3 =	sadd.s32 s3, s9;
	s6 =	sadd.s32 @!p0 $0x88, s6;
	s7 =	simm.s32 @p2 $0x1082  }
0x22: {  	[simem:s7], [sflag:s8] =	dma.local @!p0 [hbm:s6], $0xF7A  }
0x23: {  	s9 =	sor.u32 $0xD0000000, s2;
	s6 =	simm.s32 $0x108;
	_ =	swait.ge @!p0 [sflag:s8], $0x0  }
0x24: {  	s3 =	sadd.s32 $0x88, s3;
	s6 =	simm.s32 @!p1 $0x1082;
	[sflag:s4] =	ssyncset.s32 $0xFFFFF086  }
0x25: {  	[simem:s6], [sflag:s4] =	dma.local [hbm:s3], $0xF7A  }
0x26: {  	[smem:$0x3F9C] =	sst s1;
	(tag) =	ssettag s2;
	_ =	strace s9  }
0x27: {  	s1 =	sld [smem:$0x3FAC]  }
0x28: {  	s2 =	sld [smem:$0x3FAD]  }
0x29: {  	s4 =	sld [smem:$0x3FAF]  }
0x2a: {  	p0 =	seq.s32 s5, $0x0;
	s5 =	sld [smem:$0x3FB0]  }
0x2b: {  	s6 =	sld [smem:$0x3FB1]  }
0x2c: {  	s7 =	sld [smem:$0x3FB2]  }
0x2d: {  	s3 =	simm.s32 $0x108;
	s8 =	sld [smem:$0x3FB3]  }
0x2e: {  	s3 =	simm.s32 @!p0 $0x1082;
	s9 =	sld [smem:$0x3FB4]  }
0x2f: {  	lr =	sadd.s32 s0, s3;
	s0 =	sld [smem:$0x3FAB]  }
0x30: {  	s3 =	sld [smem:$0x3FAE]  }
0x31: {  	[smem:$0x3FB7] =	sst s10  }
0x32: {  	s10 =	sld [smem:$0x3FB5];
	_ =	sdelay $0x3  }
0x33: {  	p0 =	seq.s32 s10, $0x1;
	s10 =	sld [smem:$0x3FB7];
	_ =	sdelay $0x3  }
0x34: {  	[smem:$0x3FB7] =	sst s10  }
0x35: {  	s10 =	sld [smem:$0x3FB6];
	_ =	sdelay $0x3  }
0x36: {  	p1 =	seq.s32 s10, $0x1;
	s10 =	sld [smem:$0x3FB7];
	_ =	sdelay $0x3  }
0x37: {  	[smem:$0x3FB7] =	sst s10  }
0x38: {  	s10 =	sld [smem:$0x3FB8]  }
0x39: {  	_ = 	snop;
	(pc) =	sbr.ind lr, $3  }
0x3a: {  	_ = 	snop  }
0x3b: {  	_ = 	snop  }
0x3c: {  	p2 =	seq.s32 s10, $0x1;
	s10 =	sld [smem:$0x3FB7]  }
0x3d: {  	_ =	shalt  }
0x3e: {  	_ =	shalt  }
0x3f: {  	_ =	shalt  }
0x40: {  	_ =	shalt  }
0x41: {  	_ =	shalt  }
0x42: {  	_ =	shalt  }
0x43: {  	_ =	shalt  }
0x44: {  	_ =	shalt  }
0x45: {  	_ =	shalt  }
0x46: {  	_ =	shalt  }
0x47: {  	_ =	shalt  }
0x48: {  	_ =	shalt  }
0x49: {  	_ =	shalt  }
0x4a: {  	_ =	shalt  }
0x4b: {  	_ =	shalt  }
0x4c: {  	_ =	shalt  }
0x4d: {  	_ =	shalt  }
0x4e: {  	_ =	shalt  }
0x4f: {  	_ =	shalt  }
0x50: {  	_ =	shalt  }
0x51: {  	_ =	shalt  }
0x52: {  	_ =	shalt  }
0x53: {  	_ =	shalt  }
0x54: {  	_ =	shalt  }
0x55: {  	_ =	shalt  }
0x56: {  	_ =	shalt  }
0x57: {  	_ =	shalt  }
0x58: {  	_ =	shalt  }
0x59: {  	_ =	shalt  }
0x5a: {  	_ =	shalt  }
0x5b: {  	_ =	shalt  }
0x5c: {  	_ =	shalt  }
0x5d: {  	_ =	shalt  }
0x5e: {  	_ =	shalt  }
0x5f: {  	_ =	shalt  }
0x60: {  	_ =	shalt  }
0x61: {  	_ =	shalt  }
0x62: {  	_ =	shalt  }
0x63: {  	_ =	shalt  }
0x64: {  	_ =	shalt  }
0x65: {  	_ =	shalt  }
0x66: {  	_ =	shalt  }
0x67: {  	_ =	shalt  }
0x68: {  	_ =	shalt  }
0x69: {  	_ =	shalt  }
0x6a: {  	_ =	shalt  }
0x6b: {  	_ =	shalt  }
0x6c: {  	_ =	shalt  }
0x6d: {  	_ =	shalt  }
0x6e: {  	_ =	shalt  }
0x6f: {  	_ =	shalt  }
0x70: {  	_ =	shalt  }
0x71: {  	_ =	shalt  }
0x72: {  	_ =	shalt  }
0x73: {  	_ =	shalt  }
0x74: {  	_ =	shalt  }
0x75: {  	_ =	shalt  }
0x76: {  	_ =	shalt  }
0x77: {  	_ =	shalt  }
0x78: {  	_ =	shalt  }
0x79: {  	_ =	shalt  }
0x7a: {  	_ =	shalt  }
0x7b: {  	_ =	shalt  }
0x7c: {  	_ =	shalt  }
0x7d: {  	_ =	shalt  }
0x7e: {  	_ =	shalt  }
0x7f: {  	_ =	shalt  }
0x80: {  	_ =	shalt  }
0x81: {  	_ =	shalt  }
0x82: {  	_ =	shalt  }
0x83: {  	_ =	shalt  }
0x84: {  	_ =	shalt  }
0x85: {  	_ =	shalt  }
0x86: {  	_ =	shalt  }
0x87: {  	_ =	shalt  }
.Lfunc_end0:
.L_simem_size_0:
called_computation_lowered:
.L_overlay_start_0:
0x88: {  	s0 =	sld [smem:$0x3FD9]  }
0x89: {  	s1 =	sld [smem:$0x3FFE];
	_ =	sdelay $0x3  }
0x8a: {  	s0 =	sadd.s32 s1, s0  }
0x8b: {  	[smem:$0x3FC3] =	sst s0  }
0x8c: {  	_ = 	snop  }
0x8d: {  	s0 =	sld [smem:$0x3FC6]  }
0x8e: {  	s16 =	sld [smem:$0x3FD0];
	(tm) =	ssettm $0x1  }
0x8f: {  	s2 =	sld [smem:$0x3FFB];
	_ =	sdelay $0x3  }
0x90: {  	_ =	strace s2  }
0x91: {  	s2 =	sld [smem:$0x3FFC];
	_ =	sdelay $0x3  }
0x92: {  	_ =	strace s2  }
0x93: {  	s2 =	sld [smem:$0x3FFD];
	_ =	sdelay $0x3  }
0x94: {  	_ =	strace s2  }
0x95: {  	_ =	strace $0x8FFFFFFF  }
0x96: {  	s17 =	sld [smem:$0x3FDB];
	_ =	sdelay $0x1  }
0x97: {  	s3 =	simm.s32 $_scs_section_size  }
0x98: {  	s4 =	simm.s32 $_size__tile_overlayer_lowered;
	s5 =	simm.s32 $_tile_overlayer_lowered  }
0x99: {  	s20 =	simm.s32 $0x1BFF;
	s19 =	sshll.u32 s5, $0x1;
	s2 =	sadd.s32 s3, s17  }
0x9a: {  	s6 =	simm.s32 $0x0;
	s18 =	sshll.u32 s4, $0x1;
	s4 =	sadd.s32 s19, s2  }
0x9b: {  	[timem:s6], [sflag:s20] =	dma.local [hbm:s4], s18  }
0x9c: {  	_ =	swait.ge [sflag:s20], s18  }
0x9d: {  	s3 =	ssub.s32 $0x0, s18;
	[sflag:s20] =	ssyncset.done $0x0  }
0x9e: {  	[sflag:s20] =	ssyncadd.s32 s3;
	_ =	sdelay $0x1  }
0x9f: {  	s21 =	simm.s32 $0x1B8B  }
0xa0: {  	_ =	swait.ge [sflag:s21], $0x1  }
0xa1: {  	[sflag:s21] =	ssyncset.done $0x0  }
0xa2: {  	s23 =	simm.s32 $0x1B8E;
	s22 =	sld [smem:$0x3FFE];
	[sflag:s21] =	ssyncadd.s32 $0xFFFFFFFF  }
0xa3: {  	s24 =	simm.s32 $execute0_lowered;
	[smem:$0x3FD2] =	sst s23  }
0xa4: {  	s4 =	sshll.u32 s24, $0x1;
	_ =	strace $0x80000046;
	[dreg:$0x1] =	wrdreg $0xFFFFFFFF  }
0xa5: {  	s25 =	simm.s32 $_size_execute0_lowered;
	s2 =	sadd.s32 s2, s4;
	[dreg:$0x0] =	wrdreg $0x0  }
0xa6: {  	s4 =	sshll.u32 s25, $0x1;
	[dreg:$0x2] =	wrdreg s2  }
0xa7: {  	[dreg:$0x3] =	wrdreg s4  }
0xa8: {  	[dreg:$0x4] =	wrdreg $0xC0  }
0xa9: {  	_ =	task [dreg:s6], $0x5FFFF  }
0xaa: {  	[dreg:$0x1] =	wrdreg $0xFFFFFFFF  }
0xab: {  	[dreg:$0x0] =	wrdreg $0x60  }
0xac: {  	[dreg:$0x2] =	wrdreg s16  }
0xad: {  	[dreg:$0x3] =	wrdreg s0  }
0xae: {  	[dreg:$0x4] =	wrdreg s22  }
0xaf: {  	[dreg:$0x5] =	wrdreg $0x9  }
0xb0: {  	_ =	task.clear_ibuf [dreg:s6], $0x6FFFF;
	_ =	strace $0x90000046  }
0xb1: {  	s26 =	simm.s32 $0x9;
	_ =	strace $0x80000048  }
0xb2: {  	_ =	swait.ge [sflag:s26], $0x1  }
0xb3: {  	[sflag:s26] =	ssyncadd.s32 $0xFFFFFFFF  }
0xb4: {  	_ =	strace $0x90000048  }
0xb5: {  	_ =	sfence  }
0xb6: {  	s28 =	sld [smem:$0x0];
	_ =	sdelay $0x1  }
0xb7: {  	s29 =	srdreg.scid  }
0xb8: {  	s30 =	sshll.u32 s29, $0xD;
	s31 =	sshrl.u32 s29, $0x2  }
0xb9: {  	s1 =	sand.u32 $0x1, s29;
	s2 =	sand.u32 $0x4000, s30;
	s0 =	sadd.s32 s31, s28  }
0xba: {  	s1 =	sor.u32 s2, s1;
	s0 =	sshll.u32 s0, $0x11  }
0xbb: {  	s0 =	sor.u32 s0, s1  }
0xbc: {  	s0 =	sadd.s32 $0x8F2B, s0  }
0xbd: {  	[sflag:s0] =	ssyncadd.remote.s32 $0x1  }
0xbe: {  	_ =	sfence.sel $0xFFFF  }
0xbf: {  	[dreg:$0x0] =	wrdreg $0xFFFFFFFF;
	(pc) =	sbr.abs _section_cstart, $3  }
0xc0: {  	[dreg:$0x1] =	wrdreg $0xFFFFFFFF  }
0xc1: {  	_ =	task.clear_ibuf [dreg:s6], $0x2FFFF;
	_ =	strace $0x9FFFFFFF  }
0xc2: {  	(tm) =	ssettm $0x7FFFFFFF  }
0xc3: {  	_ =	shalt  }
tec
execute0_lowered:
.L_overlay_start_1:
0x0: {  	(tag) =	ssettag $0x1  }
0x1: {  	s4 =	rddreg [dreg:$0x0]  }
0x2: {  	s5 =	rddreg [dreg:$0x1]  }
0x3: {  	s6 =	rddreg [dreg:$0x2];
	s2 =	simm.s32 $0x0;
	s1 =	stileid.u32  }
0x4: {  	[smem:$0x7FF] =	sst s2;
	s3 =	sshll.u32 s1, $0x8  }
0x5: {  	s0 =	rddreg [dreg:$0x3];
	_ =	strace $0x80000047;
	s4 =	sadd.s32 s4, s3  }
0x6: {  	[tilespmem:s2], [sflag:$0x1] =	stream.linear.gather [hbm4b:s4+s2], $0x800, $0x38;
	[tilespmem:$0x1800] =	vst v63  }
0x7: {  	s31 =	simm.s32 $0x1;
	s4 =	simm.s32 $0x800  }
0x8: {  	[tilespmem:s4], [sflag:$0x2] =	stream.linear.gather [hbm4b:s5+s2], $0x800, $0x38;
	[tilespmem:$0x1800] =	vst v63  }
0x9: {  	_ =	swait.ge [sflag:s31], $0x800  }
0xa: {  	[sflag:s31] =	ssyncset.done $0x0  }
0xb: {  	s7 =	simm.s32 $0x2;
	[sflag:s31] =	ssyncadd.s32 $0xFFFFF800  }
0xc: {  	_ =	swait.ge [sflag:s7], $0x800  }
0xd: {  	v0 =	vlaneseq.u32;
	s8 =	simm.s32 $0x0;
	s5 =	sadd.s32 $0xC00, s6;
	[sflag:s7] =	ssyncset.done $0x0  }
0xe: {  	v0 =	vmul.u32 $0x80, v0;
	s6 =	sshll.u32 s1, $0x3;
	[sflag:s7] =	ssyncadd.s32 $0xFFFFF800;
	s7 =	simm.s32 $0x1000  }
.LBB2_1:
0xf: {  	s9 =	sshll.u32 s8, $0x7  }
0x10: {  	s10 =	sadd.s32 s6, s8;
	s11 =	sand.u32 $0x400, s2;
	s9 =	sand.u32 $0x3FFFFF80, s9  }
0x11: {  	s31 =	sand.u32 $0x70, s2;
	v1 =	vmov s10;
	s11 =	sadd.s32 s11, s9  }
0x12: {  	v1 =	vand.u32 $0x7F, v1;
	s10 =	sadd.s32 s31, s11  }
0x13: {  	v1 =	vbroadcast v1, $0x0;
	v2 =	vld [tilespmem:s10+$0x0]  }
0x14: {  	v3 =	vmov s8  }
0x15: {  	v4 =	vor.u32 v0, v1;
	v1 =	vshll.u32 v3, $0x7  }
0x16: {  	v1 =	vand.u32 $0x380, v1  }
0x17: {  	v1 =	vbroadcast v1, $0x0  }
0x18: {  	v3 =	vand.u32 $0x7F, v2;
	v2 =	vshll.u32 v2, $0x3  }
0x19: {  	v5 =	vand.u32 $0xFFFFFC00, v2;
	v3 =	vor.u32 v1, v3  }
0x1a: {  	v2 =	vld.idx.msk [tilespmem:v4+s4+$0x0], $0xffff;
	v3 =	vor.u32 v5, v3;
	_ =	sdelay $0x1  }
0x1b: {  	s10 =	simm.s32 $0x80  }
0x1c: {  	s12 =	simm.s32 $0x10;
	s11 =	simm.s32 $0x20;
	s13 =	sand.u32 $0x400, s10  }
.LBB2_2:
0x1d: {  	p0 =	sne.s32 s11, $0xF0;
	s12 =	sand.u32 $0x70, s12;
	s13 =	sadd.s32 s13, s9  }
0x1e: {  	s13 =	sadd.s32 s12, s13;
	[tilespmem:v3+s7+$0x0] =	vst.idx.msk $0xffff, v2;
	s12 =	smov.u32 s11  }
0x1f: {  	v3 =	vld [tilespmem:s13+$0x0];
	_ =	sdelay $0x4  }
0x20: {  	v4 =	vand.u32 $0x7F, v3;
	v3 =	vshll.u32 v3, $0x3  }
.Ltmp0:
0x21: {  	v3 =	vand.u32 $0xFFFFFC00, v3;
	v4 =	vor.u32 v1, v4;
	(pc) =	sbr.rel @p0 .LBB2_2-.Ltmp0, $3  }
0x22: {  	v3 =	vor.u32 v3, v4;
	_ =	sdelay $0x1  }
0x23: {  	s10 =	sadd.s32 $0x80, s10  }
0x24: {  	s11 =	sadd.s32 $0x10, s11;
	s13 =	sand.u32 $0x400, s10  }
0x25: {  	_ =	sdelay $0x2  }
0x26: {  	s10 =	sand.u32 $0x70, s12;
	s9 =	sadd.s32 s13, s9  }
0x27: {  	[tilespmem:v3+s7+$0x0] =	vst.idx.msk $0xffff, v2;
	s9 =	sadd.s32 s10, s9  }
0x28: {  	v3 =	vld [tilespmem:s9+$0x0];
	_ =	sdelay $0x4  }
0x29: {  	v4 =	vand.u32 $0x7F, v3;
	v3 =	vshll.u32 v3, $0x3  }
0x2a: {  	s8 =	sadd.s32 $0x1, s8;
	v3 =	vand.u32 $0xFFFFFC00, v3;
	v1 =	vor.u32 v1, v4  }
0x2b: {  	p0 =	sne.s32 s8, $0x8;
	v1 =	vor.u32 v3, v1  }
.Ltmp1:
0x2c: {  	_ = 	snop;
	(pc) =	sbr.rel @p0 .LBB2_1-.Ltmp1, $2  }
0x2d: {  	_ =	sdelay $0x2  }
0x2e: {  	[tilespmem:v1+s7+$0x0] =	vst.idx.msk $0xffff, v2  }
0x2f: {  	s2 =	sadd.s32 s5, s3  }
0x30: {  	s30 =	simm.s32 $0x0;
	s4 =	simm.s32 $0x1000;
	s31 =	simm.s32 $0x3  }
0x31: {  	[hbm4b:s2+s30] =	stream.linear.scatter [tilespmem:s4], [sflag:$0x3], $0x800, $0x38;
	[tilespmem:$0x1800] =	vst v63  }
0x32: {  	_ =	swait.ge [sflag:s31], $0x800  }
0x33: {  	[sflag:s31] =	ssyncset.done $0x0  }
0x34: {  	[sflag:s31] =	ssyncadd.s32 $0xFFFFF800  }
0x35: {  	_ =	sfence.sel $0x180000  }
0x36: {  	[bflag:$0x0] =	sbarrier.arrive $0xFFFF  }
0x37: {  	p0 =	sne.s32 s1, $0x0;
	_ =	strace $0x90000047  }
0x38: {  	s0 =	sadd.s32 @!p0 $0x100000, s0;
	[bflag:$0x2] =	sbarrier.arrive $0xFFFF  }
0x39: {  	[sflag:s0] =	ssyncadd.tile.s32 @!p0 $0x1;
	_ =	shalt  }
.Lfunc_end2:
_tile_overlayer_lowered:
.L_overlay_start_2:
0x3a: {  	(tag) =	ssettag $0x2  }
0x3b: {  	s0 =	rddreg [dreg:$0x0];
	s2 =	stileid.u32  }
0x3c: {  	s1 =	rddreg [dreg:$0x1];
	p0 =	sne.s32 s2, $0x0  }
0x3d: {  	s3 =	rddreg [dreg:$0x2];
	[bflag:$0x3] =	sbarrier.arrive $0xFFFF;
	s2 =	simm.s32 @!p0 $0x1C03  }
0x3e: {  	[timem:s3], [sflag:s2] =	dma.local @!p0 [hbm:s0], s1  }
0x3f: {  	s0 =	simm.s32 @!p0 $0x3  }
0x40: {  	_ =	swait.ge @!p0 [sflag:s0], s1  }
0x41: {  	s1 =	ssub.s32 @!p0 $0x0, s1;
	[sflag:s0] =	ssyncset.done @!p0 $0x0  }
0x42: {  	[sflag:s0] =	ssyncadd.s32 @!p0 s1  }
0x43: {  	[bflag:$0x3] =	sbarrier.arrive $0xFFFF  }
0x44: {  	_ =	shalt  }

</sc_bundles>
